<compile_context>
chip_gen: v7x
topology: tpu7x:2x2x1
jax: 0.10.2.dev20260603
libtpu: 0.0.44.dev20260713+nightly
codegen_flags: <defaults>
</compile_context>

<pallas_src>
import functools

import jax
import jax.numpy as jnp
from jax import lax
from jax.experimental import pallas as pl
from jax.experimental.pallas import tpu as pltpu
import jax.experimental.pallas.tpu_sc as plsc

NPRED = 4096
NGT = 16384
CHUNK = 512
NSTEPS = NGT // CHUNK

NW = 32
BPW = NPRED // NW


def _argmin_body(predp_ref, predpt_ref, gtpt_full_ref, gtpt_ref, colf_ref,
                 idx_ref, t_ref, min_ref, s_ref):
    j = pl.program_id(0)

    @pl.when(j == 0)
    def _init():
        gsum = jnp.sum(gtpt_full_ref[...], axis=1, keepdims=True)
        psum = jnp.sum(predpt_ref[...], axis=1, keepdims=True)
        t_ref[...] = gsum / NGT - psum / NPRED
        min_ref[...] = jnp.full((NPRED, 1), jnp.inf, jnp.float32)
        idx_ref[...] = jnp.zeros((NPRED, 1), jnp.int32)

    t = t_ref[...]
    g = gtpt_ref[...]
    g0, g1, g2 = g[0:1, :], g[1:2, :], g[2:3, :]
    pq = predp_ref[...].astype(jnp.bfloat16).astype(jnp.float32)
    ps0 = pq[:, 0:1] + t[0:1, 0:1]
    ps1 = pq[:, 1:2] + t[1:2, 0:1]
    ps2 = pq[:, 2:3] + t[2:3, 0:1]
    a2 = ps0 * ps0 + ps1 * ps1 + ps2 * ps2
    b2 = g0 * g0 + g1 * g1 + g2 * g2
    ps = jnp.concatenate([ps0, ps1, ps2], axis=1)
    gb2 = (g * -2.0).astype(jnp.bfloat16)
    dn = (((1,), (0,)), ((), ()))
    ab2 = lax.dot_general(ps, gb2, dn, preferred_element_type=jnp.float32)
    sp = (a2 + b2) + ab2
    s_ref[...] = sp
    m = jnp.maximum(jnp.min(sp, axis=1, keepdims=True), 0.0)
    candf = jnp.min(jnp.where(s_ref[...] <= m, colf_ref[...],
                              jnp.float32(CHUNK)),
                    axis=1, keepdims=True)
    cand = candf.astype(jnp.int32) + j * CHUNK
    upd = m < min_ref[...]
    idx_ref[...] = jnp.where(upd, cand, idx_ref[...])
    min_ref[...] = jnp.where(upd, m, min_ref[...])


def _argmin_call(predp, predpt, gtpt):
    return pl.pallas_call(
        _argmin_body,
        grid=(NSTEPS,),
        in_specs=[
            pl.BlockSpec((NPRED, 3), lambda j: (0, 0)),
            pl.BlockSpec((3, NPRED), lambda j: (0, 0)),
            pl.BlockSpec((3, NGT), lambda j: (0, 0)),
            pl.BlockSpec((3, CHUNK), lambda j: (0, j)),
            pl.BlockSpec((1, CHUNK), lambda j: (0, 0)),
        ],
        out_specs=[
            pl.BlockSpec((NPRED, 1), lambda j: (0, 0)),
            pl.BlockSpec((3, 1), lambda j: (0, 0)),
            pl.BlockSpec((NPRED, 1), lambda j: (0, 0)),
        ],
        out_shape=[
            jax.ShapeDtypeStruct((NPRED, 1), jnp.int32),
            jax.ShapeDtypeStruct((3, 1), jnp.float32),
            jax.ShapeDtypeStruct((NPRED, 1), jnp.float32),
        ],
        scratch_shapes=[pltpu.VMEM((NPRED, CHUNK), jnp.float32)],
    )(predp, predpt, gtpt, gtpt,
      jnp.arange(CHUNK, dtype=jnp.float32).reshape(1, CHUNK))


@functools.cache
def _sc_gather_fn():
    mesh = plsc.VectorSubcoreMesh(
        core_axis_name="c", subcore_axis_name="s",
        num_cores=2, num_subcores=16)

    @functools.partial(
        pl.kernel,
        out_type=jax.ShapeDtypeStruct((NPRED, 128), jnp.float32),
        mesh=mesh,
        scratch_types=[
            pltpu.VMEM((BPW,), jnp.int32),
            pltpu.VMEM((BPW, 128), jnp.float32),
            pltpu.SemaphoreType.DMA,
        ],
    )
    def _sc_gather(table_hbm, idx_hbm, out_hbm, idx_v, rows_v, sem):
        wid = lax.axis_index("s") * 2 + lax.axis_index("c")
        base = wid * BPW
        pltpu.sync_copy(idx_hbm.at[pl.ds(base, BPW)], idx_v)
        pltpu.async_copy(table_hbm.at[idx_v], rows_v, sem).wait()
        pltpu.sync_copy(rows_v, out_hbm.at[pl.ds(base, BPW)])

    return _sc_gather


def _loss_body(pf_ref, mt_ref, trow_ref, out_ref):
    pf = pf_ref[...]
    mt = mt_ref[...]
    trow = trow_ref[...]

    d = (pf[:, 0:3] + trow) - mt[:, 0:3]
    ad = jnp.abs(d)
    h = jnp.where(ad < 1.0, 0.5 * ad * ad, ad - 0.5)
    huber = jnp.sum(h) / jnp.float32(NPRED * 3)
    reg = huber / 2000.0

    pn = pf[:, 3:6]
    gn = mt[:, 3:6]
    dp = jnp.maximum(jnp.sqrt(jnp.sum(pn * pn, axis=1, keepdims=True)), 1e-5)
    dg = jnp.maximum(jnp.sqrt(jnp.sum(gn * gn, axis=1, keepdims=True)), 1e-5)
    cos = jnp.sum(pn * gn, axis=1, keepdims=True) / (dp * dg)
    norm_loss = 1.0 - jnp.sum(cos) / jnp.float32(NPRED)

    out_ref[...] = jnp.broadcast_to(reg + norm_loss, (1, 1))


def _loss_call(pred_feat, matched, t):
    return pl.pallas_call(
        _loss_body,
        out_shape=jax.ShapeDtypeStruct((1, 1), jnp.float32),
    )(pred_feat, matched, t.reshape(1, 3))


def kernel(pred_feat, pred_decoder, input_data, gt_data):
    predp = pred_feat[:, :3]
    predpt = predp.T
    gtpt = gt_data[:, :3].T

    idx2d, t, _ = _argmin_call(predp, predpt, gtpt)
    idx = idx2d.reshape(NPRED)

    table = jnp.pad(gt_data, ((0, 0), (0, 122)))
    matched = _sc_gather_fn()(table, idx)

    out = _loss_call(pred_feat, matched, t)
    return out.reshape(1)

# --- scband reference (transcript-rebuilt; emitter-appended) ---
"""Pipeline reference for scband-combined-criterion-aeteaser-90907277787248 (READ-ONLY COPY).

The authoritative reference and input builder live on the scoring server;
editing this copy changes nothing except your own understanding.
"""

import jax, jax.numpy as jnp
import numpy as np


def _cdist(a, b):
    a2 = jnp.sum(a * a, axis=1, keepdims=True)
    b2 = jnp.sum(b * b, axis=1, keepdims=True).T
    d2 = a2 + b2 - 2.0 * (a @ b.T)
    return jnp.sqrt(jnp.maximum(d2, 0.0))


def _normalize(x, eps=1e-5):
    n = jnp.linalg.norm(x, axis=1, keepdims=True)
    return x / jnp.maximum(n, eps)


def setup_inputs(seed: int = 0) -> dict:
    key = jax.random.key(seed)
    k1, k2, k3, k4 = jax.random.split(key, 4)
    return {
        "pred_feat": jax.random.normal(k1, (4096, 6), dtype=jnp.float32),
        "pred_decoder": jax.random.normal(k2, (4096, 4), dtype=jnp.float32),
        "input_data": jax.random.normal(k3, (4096, 4), dtype=jnp.float32),
        "gt_data": jax.random.normal(k4, (16384, 6), dtype=jnp.float32),
    }


def reference(pred_feat, pred_decoder, input_data, gt_data):
    # train_decoder=False path of CombinedCriterionAETeaser.forward
    reg_max = jnp.array([2000.0], dtype=jnp.float32)
    scale_max = jnp.array([2000.0], dtype=jnp.float32)

    pred_points = pred_feat[:, :3]
    pred_normals = pred_feat[:, 3:]
    gt_points = gt_data[:, :3]
    gt_normals = gt_data[:, 3:]

    # TEASER++ solver surrogate: the solver runs on detached numpy in the
    # original, so R, t, s are constants w.r.t. gradients. We use a
    # deterministic surrogate (identity rotation, centroid translation,
    # unit scale) under stop_gradient.
    R = jnp.eye(3, dtype=jnp.float32)
    t = jax.lax.stop_gradient(jnp.mean(gt_points, axis=0) - jnp.mean(pred_points, axis=0))
    s = jnp.float32(1.0)

    s_c = jnp.minimum(s, scale_max)
    scale_loss = (s_c - 1.0) ** 2 / (scale_max - 1.0) ** 2

    pred_solved = pred_points @ R.T + t
    dists = _cdist(pred_solved, gt_points)
    min_indices = jnp.argmin(dists, axis=1)

    matched = jnp.take(gt_points, min_indices, axis=0)
    diff = pred_solved - matched
    ad = jnp.abs(diff)
    huber = jnp.mean(jnp.where(ad < 1.0, 0.5 * ad * ad, ad - 0.5))
    reg = huber / reg_max
    reg_loss = scale_loss + reg

    closest_gt_normals = jnp.take(gt_normals, min_indices, axis=0)
    pn = _normalize(pred_normals)
    gn = _normalize(closest_gt_normals)
    cos_theta = jnp.sum(pn * gn, axis=1)
    norm_loss = jnp.mean(1.0 - cos_theta)

    combined_loss = reg_loss + norm_loss
    return combined_loss

if __name__ == "__main__":
    import jax
    _d = setup_inputs()
    print(jax.jit(kernel)(*tuple(_d.values())))

</pallas_src>

<mosaic_0001>
#map = affine_map<(d0, d1) -> (0, 0)>
#map1 = affine_map<(d0, d1) -> (0)>
module attributes {stable_mosaic.version = 14 : i64} {
  func.func @_sc_gather(%arg0: i32, %arg1: i32, %arg2: memref<16384x128xf32, #tpu.memory_space<hbm>>, %arg3: memref<4096xi32, #tpu.memory_space<hbm>>, %arg4: memref<4096x128xf32, #tpu.memory_space<hbm>>, %arg5: memref<128xi32, #tpu.memory_space<vmem>>, %arg6: memref<128x128xf32, #tpu.memory_space<vmem>>, %arg7: memref<!tpu.dma_semaphore, #tpu.memory_space<semaphore_mem>>) attributes {dimension_semantics = [#tpu.dimension_semantics<core_parallel>, #tpu.dimension_semantics<subcore_parallel>], iteration_bounds = array<i64: 2, 16>, scalar_prefetch = 0 : i64, scratch_operands = 3 : i64, tpu.core_type = #tpu.core_type<sc_vector_subcore>, window_params = [{transform_indices = #map}, {transform_indices = #map1}, {transform_indices = #map}]} {
    %mul3A = arith.constant 2 : i32
    %mul3A_0 = arith.muli %arg1, %mul3A : i32
    %add3A = arith.addi %mul3A_0, %arg0 : i32
    %mul3A_1 = arith.constant 128 : i32
    %mul3A_2 = arith.muli %add3A, %mul3A_1 : i32
    "tpu.region"() ({
      %run_scoped3A = tpu.sem_alloc : memref<!tpu.dma_semaphore, #tpu.memory_space<semaphore_mem>>
      %dma_start3A_7 = tpu.memref_slice %arg3[%mul3A_2] : memref<4096xi32, #tpu.memory_space<hbm>> -> memref<128xi32, #tpu.memory_space<hbm>>
      %dma_start3A_8 = tpu.memref_slice %arg3[%mul3A_2] : memref<4096xi32, #tpu.memory_space<hbm>> -> memref<128xi32, #tpu.memory_space<hbm>>
      tpu.enqueue_dma source(%dma_start3A_8 : memref<128xi32, #tpu.memory_space<hbm>>) target(%arg5 : memref<128xi32, #tpu.memory_space<vmem>>) target_semaphore(%run_scoped3A : memref<!tpu.dma_semaphore, #tpu.memory_space<semaphore_mem>>)
      %dma_wait3A_9 = tpu.memref_slice %arg3[%mul3A_2] : memref<4096xi32, #tpu.memory_space<hbm>> -> memref<128xi32, #tpu.memory_space<hbm>>
      %dma_wait3A_10 = tpu.memref_slice %arg3[%mul3A_2] : memref<4096xi32, #tpu.memory_space<hbm>> -> memref<128xi32, #tpu.memory_space<hbm>>
      tpu.wait_dma2 semaphore(%run_scoped3A : memref<!tpu.dma_semaphore, #tpu.memory_space<semaphore_mem>>) src(%dma_wait3A_10 : memref<128xi32, #tpu.memory_space<hbm>>) dst(%arg5 : memref<128xi32, #tpu.memory_space<vmem>>)
      tpu.yield
    }) : () -> ()
    %dma_start3A = arith.constant 0 : i32
    %dma_start3A_3 = arith.constant 0 : i32
    %dma_start3A_4 = tpu.memref_slice %arg2[%dma_start3A, %dma_start3A_3] : memref<16384x128xf32, #tpu.memory_space<hbm>> -> memref<16384x128xf32, #tpu.memory_space<hbm>>
    tpu.enqueue_indirect_dma source(%dma_start3A_4 : memref<16384x128xf32, #tpu.memory_space<hbm>>) target(%arg6 : memref<128x128xf32, #tpu.memory_space<vmem>>) offsets(%arg5 : memref<128xi32, #tpu.memory_space<vmem>>) semaphore(%arg7 : memref<!tpu.dma_semaphore, #tpu.memory_space<semaphore_mem>>)
    %dma_wait3A = arith.constant 0 : i32
    %dma_wait3A_5 = arith.constant 0 : i32
    %dma_wait3A_6 = tpu.memref_slice %arg2[%dma_wait3A, %dma_wait3A_5] : memref<16384x128xf32, #tpu.memory_space<hbm>> -> memref<16384x128xf32, #tpu.memory_space<hbm>>
    tpu.wait_indirect_dma semaphore(%arg7 : memref<!tpu.dma_semaphore, #tpu.memory_space<semaphore_mem>>) src(%dma_wait3A_6 : memref<16384x128xf32, #tpu.memory_space<hbm>>) dst(%arg6 : memref<128x128xf32, #tpu.memory_space<vmem>>)
    "tpu.region"() ({
      %run_scoped3A = tpu.sem_alloc : memref<!tpu.dma_semaphore, #tpu.memory_space<semaphore_mem>>
      %dma_start3A_7 = arith.constant 0 : i32
      %dma_start3A_8 = tpu.memref_slice %arg4[%mul3A_2, %dma_start3A_7] : memref<4096x128xf32, #tpu.memory_space<hbm>> -> memref<128x128xf32, #tpu.memory_space<hbm>>
      %dma_start3A_9 = arith.constant 0 : i32
      %dma_start3A_10 = tpu.memref_slice %arg4[%mul3A_2, %dma_start3A_9] : memref<4096x128xf32, #tpu.memory_space<hbm>> -> memref<128x128xf32, #tpu.memory_space<hbm>>
      tpu.enqueue_dma source(%arg6 : memref<128x128xf32, #tpu.memory_space<vmem>>) target(%dma_start3A_10 : memref<128x128xf32, #tpu.memory_space<hbm>>) target_semaphore(%run_scoped3A : memref<!tpu.dma_semaphore, #tpu.memory_space<semaphore_mem>>)
      %dma_wait3A_11 = arith.constant 0 : i32
      %dma_wait3A_12 = tpu.memref_slice %arg4[%mul3A_2, %dma_wait3A_11] : memref<4096x128xf32, #tpu.memory_space<hbm>> -> memref<128x128xf32, #tpu.memory_space<hbm>>
      %dma_wait3A_13 = arith.constant 0 : i32
      %dma_wait3A_14 = tpu.memref_slice %arg4[%mul3A_2, %dma_wait3A_13] : memref<4096x128xf32, #tpu.memory_space<hbm>> -> memref<128x128xf32, #tpu.memory_space<hbm>>
      tpu.wait_dma2 semaphore(%run_scoped3A : memref<!tpu.dma_semaphore, #tpu.memory_space<semaphore_mem>>) src(%arg6 : memref<128x128xf32, #tpu.memory_space<vmem>>) dst(%dma_wait3A_14 : memref<128x128xf32, #tpu.memory_space<hbm>>)
      tpu.yield
    }) : () -> ()
    return
  }
}

module attributes {stable_mosaic.version = 14 : i64} {
  func.func @_argmin_body(%arg0: i32, %arg1: memref<4096x3xf32, #tpu.memory_space<vmem>>, %arg2: memref<3x4096xf32, #tpu.memory_space<vmem>>, %arg3: memref<3x16384xf32, #tpu.memory_space<vmem>>, %arg4: memref<3x512xf32, #tpu.memory_space<vmem>>, %arg5: memref<1x512xf32, #tpu.memory_space<vmem>>, %arg6: memref<4096x1xi32, #tpu.memory_space<vmem>>, %arg7: memref<3x1xf32, #tpu.memory_space<vmem>>, %arg8: memref<4096x1xf32, #tpu.memory_space<vmem>>, %arg9: memref<4096x512xf32, #tpu.memory_space<vmem>>) attributes {dimension_semantics = [#tpu.dimension_semantics<arbitrary>], iteration_bounds = array<i64: 32>, scalar_prefetch = 0 : i64, scratch_operands = 1 : i64, tpu.core_type = #tpu.core_type<tc>, window_params = [{pipeline_mode = #tpu.pipeline_mode<synchronous>, transform_indices = @transform_0, window_bounds = array<i64: 4096, 3>}, {pipeline_mode = #tpu.pipeline_mode<synchronous>, transform_indices = @transform_1, window_bounds = array<i64: 3, 4096>}, {pipeline_mode = #tpu.pipeline_mode<synchronous>, transform_indices = @transform_2, window_bounds = array<i64: 3, 16384>}, {transform_indices = @transform_3, window_bounds = array<i64: 3, 512>}, {pipeline_mode = #tpu.pipeline_mode<synchronous>, transform_indices = @transform_4, window_bounds = array<i64: 1, 512>}, {pipeline_mode = #tpu.pipeline_mode<synchronous>, transform_indices = @transform_5, window_bounds = array<i64: 4096, 1>}, {pipeline_mode = #tpu.pipeline_mode<synchronous>, transform_indices = @transform_6, window_bounds = array<i64: 3, 1>}, {pipeline_mode = #tpu.pipeline_mode<synchronous>, transform_indices = @transform_7, window_bounds = array<i64: 4096, 1>}]} {
    %eq3A = arith.constant 0 : i32
    %eq3A_0 = arith.cmpi eq, %arg0, %eq3A : i32
    %convert_element_type3A = arith.extui %eq3A_0 : i1 to i32
    %cond3A = arith.constant 0 : i32
    %cond3A_1 = arith.cmpi ne, %convert_element_type3A, %cond3A : i32
    scf.if %cond3A_1 {
      %get3A_83 = arith.constant 0 : index
      %get3A_84 = arith.constant 0 : index
      %get3A_85 = vector.load %arg3[%get3A_83, %get3A_84] : memref<3x16384xf32, #tpu.memory_space<vmem>>, vector<3x16384xf32>
      %reduce_sum3A = arith.constant dense<0.000000e+00> : vector<3xf32>
      %reduce_sum3A_86 = vector.multi_reduction <add>, %get3A_85, %reduce_sum3A [1] : vector<3x16384xf32> to vector<3xf32>
      %broadcast_in_dim3A_87 = vector.shape_cast %reduce_sum3A_86 : vector<3xf32> to vector<3x1xf32>
      %get3A_88 = arith.constant 0 : index
      %get3A_89 = arith.constant 0 : index
      %get3A_90 = vector.load %arg2[%get3A_88, %get3A_89] : memref<3x4096xf32, #tpu.memory_space<vmem>>, vector<3x4096xf32>
      %reduce_sum3A_91 = arith.constant dense<0.000000e+00> : vector<3xf32>
      %reduce_sum3A_92 = vector.multi_reduction <add>, %get3A_90, %reduce_sum3A_91 [1] : vector<3x4096xf32> to vector<3xf32>
      %broadcast_in_dim3A_93 = vector.shape_cast %reduce_sum3A_92 : vector<3xf32> to vector<3x1xf32>
      %div3A = arith.constant 1.638400e+04 : f32
      %div3A_94 = vector.broadcast %div3A : f32 to vector<3x1xf32>
      %div3A_95 = arith.divf %broadcast_in_dim3A_87, %div3A_94 : vector<3x1xf32>
      %div3A_96 = arith.constant 4.096000e+03 : f32
      %div3A_97 = vector.broadcast %div3A_96 : f32 to vector<3x1xf32>
      %div3A_98 = arith.divf %broadcast_in_dim3A_93, %div3A_97 : vector<3x1xf32>
      %sub3A = arith.subf %div3A_95, %div3A_98 : vector<3x1xf32>
      %swap3A_99 = arith.constant 0 : index
      %swap3A_100 = arith.constant 0 : index
      %swap3A_101 = vector.load %arg7[%swap3A_99, %swap3A_100] : memref<3x1xf32, #tpu.memory_space<vmem>>, vector<3x1xf32>
      tpu.vector_store %arg7[%swap3A_99, %swap3A_100], %sub3A {strides = array<i32>} : memref<3x1xf32, #tpu.memory_space<vmem>>, vector<3x1xf32>,
      %broadcast_in_dim3A_102 = arith.constant 0x7F800000 : f32
      %broadcast_in_dim3A_103 = vector.broadcast %broadcast_in_dim3A_102 : f32 to vector<4096x1xf32>
      %swap3A_104 = arith.constant 0 : index
      %swap3A_105 = arith.constant 0 : index
      %swap3A_106 = vector.load %arg8[%swap3A_104, %swap3A_105] : memref<4096x1xf32, #tpu.memory_space<vmem>>, vector<4096x1xf32>
      tpu.vector_store %arg8[%swap3A_104, %swap3A_105], %broadcast_in_dim3A_103 {strides = array<i32>} : memref<4096x1xf32, #tpu.memory_space<vmem>>, vector<4096x1xf32>,
      %broadcast_in_dim3A_107 = arith.constant 0 : i32
      %broadcast_in_dim3A_108 = vector.broadcast %broadcast_in_dim3A_107 : i32 to vector<4096x1xi32>
      %swap3A_109 = arith.constant 0 : index
      %swap3A_110 = arith.constant 0 : index
      %swap3A_111 = vector.load %arg6[%swap3A_109, %swap3A_110] : memref<4096x1xi32, #tpu.memory_space<vmem>>, vector<4096x1xi32>
      tpu.vector_store %arg6[%swap3A_109, %swap3A_110], %broadcast_in_dim3A_108 {strides = array<i32>} : memref<4096x1xi32, #tpu.memory_space<vmem>>, vector<4096x1xi32>,
    } else {
    }
    %get3A = arith.constant 0 : index
    %get3A_2 = arith.constant 0 : index
    %get3A_3 = vector.load %arg7[%get3A, %get3A_2] : memref<3x1xf32, #tpu.memory_space<vmem>>, vector<3x1xf32>
    %get3A_4 = arith.constant 0 : index
    %get3A_5 = arith.constant 0 : index
    %get3A_6 = vector.load %arg4[%get3A_4, %get3A_5] : memref<3x512xf32, #tpu.memory_space<vmem>>, vector<3x512xf32>
    %slice3A = vector.extract_strided_slice %get3A_6 {offsets = [0, 0], sizes = [1, 512], strides = [1, 1]} : vector<3x512xf32> to vector<1x512xf32>
    %slice3A_7 = vector.extract_strided_slice %get3A_6 {offsets = [1, 0], sizes = [1, 512], strides = [1, 1]} : vector<3x512xf32> to vector<1x512xf32>
    %slice3A_8 = vector.extract_strided_slice %get3A_6 {offsets = [2, 0], sizes = [1, 512], strides = [1, 1]} : vector<3x512xf32> to vector<1x512xf32>
    %get3A_9 = arith.constant 0 : index
    %get3A_10 = arith.constant 0 : index
    %get3A_11 = vector.load %arg1[%get3A_9, %get3A_10] : memref<4096x3xf32, #tpu.memory_space<vmem>>, vector<4096x3xf32>
    %convert_element_type3A_12 = arith.truncf %get3A_11 : vector<4096x3xf32> to vector<4096x3xbf16>
    %convert_element_type3A_13 = arith.extf %convert_element_type3A_12 : vector<4096x3xbf16> to vector<4096x3xf32>
    %slice3A_14 = vector.extract_strided_slice %convert_element_type3A_13 {offsets = [0, 0], sizes = [4096, 1], strides = [1, 1]} : vector<4096x3xf32> to vector<4096x1xf32>
    %slice3A_15 = vector.extract_strided_slice %get3A_3 {offsets = [0, 0], sizes = [1, 1], strides = [1, 1]} : vector<3x1xf32> to vector<1x1xf32>
    %add3A = vector.broadcast %slice3A_15 : vector<1x1xf32> to vector<4096x1xf32>
    %add3A_16 = arith.addf %slice3A_14, %add3A : vector<4096x1xf32>
    %slice3A_17 = vector.extract_strided_slice %convert_element_type3A_13 {offsets = [0, 1], sizes = [4096, 1], strides = [1, 1]} : vector<4096x3xf32> to vector<4096x1xf32>
    %slice3A_18 = vector.extract_strided_slice %get3A_3 {offsets = [1, 0], sizes = [1, 1], strides = [1, 1]} : vector<3x1xf32> to vector<1x1xf32>
    %add3A_19 = vector.broadcast %slice3A_18 : vector<1x1xf32> to vector<4096x1xf32>
    %add3A_20 = arith.addf %slice3A_17, %add3A_19 : vector<4096x1xf32>
    %slice3A_21 = vector.extract_strided_slice %convert_element_type3A_13 {offsets = [0, 2], sizes = [4096, 1], strides = [1, 1]} : vector<4096x3xf32> to vector<4096x1xf32>
    %slice3A_22 = vector.extract_strided_slice %get3A_3 {offsets = [2, 0], sizes = [1, 1], strides = [1, 1]} : vector<3x1xf32> to vector<1x1xf32>
    %add3A_23 = vector.broadcast %slice3A_22 : vector<1x1xf32> to vector<4096x1xf32>
    %add3A_24 = arith.addf %slice3A_21, %add3A_23 : vector<4096x1xf32>
    %mul3A = arith.mulf %add3A_16, %add3A_16 : vector<4096x1xf32>
    %mul3A_25 = arith.mulf %add3A_20, %add3A_20 : vector<4096x1xf32>
    %add3A_26 = arith.addf %mul3A, %mul3A_25 : vector<4096x1xf32>
    %mul3A_27 = arith.mulf %add3A_24, %add3A_24 : vector<4096x1xf32>
    %add3A_28 = arith.addf %add3A_26, %mul3A_27 : vector<4096x1xf32>
    %mul3A_29 = arith.mulf %slice3A, %slice3A : vector<1x512xf32>
    %mul3A_30 = arith.mulf %slice3A_7, %slice3A_7 : vector<1x512xf32>
    %add3A_31 = arith.addf %mul3A_29, %mul3A_30 : vector<1x512xf32>
    %mul3A_32 = arith.mulf %slice3A_8, %slice3A_8 : vector<1x512xf32>
    %add3A_33 = arith.addf %add3A_31, %mul3A_32 : vector<1x512xf32>
    %concatenate3A = tpu.concatenate %add3A_16, %add3A_20, %add3A_24 in 1 : vector<4096x1xf32>, vector<4096x1xf32>, vector<4096x1xf32> -> vector<4096x3xf32>
    %mul3A_34 = arith.constant -2.000000e+00 : f32
    %mul3A_35 = vector.broadcast %mul3A_34 : f32 to vector<3x512xf32>
    %mul3A_36 = arith.mulf %get3A_6, %mul3A_35 : vector<3x512xf32>
    %convert_element_type3A_37 = arith.truncf %mul3A_36 : vector<3x512xf32> to vector<3x512xbf16>
    %dot_general3A = arith.constant dense<0.000000e+00> : vector<4096x512xf32>
    %dot_general3A_38 = tpu.matmul %concatenate3A, %convert_element_type3A_37, %dot_general3A {dimension_numbers = #tpu.dot_dimension_numbers<[1], [0], [0], [1], [0, 0, 1, 1], [], []>, transpose_lhs_hint = false} : vector<4096x3xf32>, vector<3x512xbf16>, vector<4096x512xf32> -> vector<4096x512xf32>
    %add3A_39 = vector.broadcast %add3A_28 : vector<4096x1xf32> to vector<4096x512xf32>
    %add3A_40 = vector.broadcast %add3A_33 : vector<1x512xf32> to vector<4096x512xf32>
    %add3A_41 = arith.addf %add3A_39, %add3A_40 : vector<4096x512xf32>
    %add3A_42 = arith.addf %add3A_41, %dot_general3A_38 : vector<4096x512xf32>
    %swap3A = arith.constant 0 : index
    %swap3A_43 = arith.constant 0 : index
    %swap3A_44 = vector.load %arg9[%swap3A, %swap3A_43] : memref<4096x512xf32, #tpu.memory_space<vmem>>, vector<4096x512xf32>
    tpu.vector_store %arg9[%swap3A, %swap3A_43], %add3A_42 {strides = array<i32>} : memref<4096x512xf32, #tpu.memory_space<vmem>>, vector<4096x512xf32>,
    %reduce_min3A = arith.constant dense<0x7F800000> : vector<4096xf32>
    %reduce_min3A_45 = vector.multi_reduction <minimumf>, %add3A_42, %reduce_min3A [1] : vector<4096x512xf32> to vector<4096xf32>
    %broadcast_in_dim3A = vector.shape_cast %reduce_min3A_45 : vector<4096xf32> to vector<4096x1xf32>
    %max3A = arith.constant 0.000000e+00 : f32
    %max3A_46 = vector.broadcast %max3A : f32 to vector<4096x1xf32>
    %max3A_47 = arith.maximumf %broadcast_in_dim3A, %max3A_46 : vector<4096x1xf32>
    %get3A_48 = arith.constant 0 : index
    %get3A_49 = arith.constant 0 : index
    %get3A_50 = vector.load %arg9[%get3A_48, %get3A_49] : memref<4096x512xf32, #tpu.memory_space<vmem>>, vector<4096x512xf32>
    %le3A = vector.broadcast %max3A_47 : vector<4096x1xf32> to vector<4096x512xf32>
    %le3A_51 = arith.cmpf ole, %get3A_50, %le3A : vector<4096x512xf32>
    %get3A_52 = arith.constant 0 : index
    %get3A_53 = arith.constant 0 : index
    %get3A_54 = vector.load %arg5[%get3A_52, %get3A_53] : memref<1x512xf32, #tpu.memory_space<vmem>>, vector<1x512xf32>
    %jit3A = arith.constant 5.120000e+02 : f32
    %broadcast_in_dim3A_55 = vector.shape_cast %get3A_54 : vector<1x512xf32> to vector<1x512xf32>
    %broadcast_in_dim3A_56 = vector.broadcast %broadcast_in_dim3A_55 : vector<1x512xf32> to vector<4096x512xf32>
    %broadcast_in_dim3A_57 = vector.broadcast %jit3A : f32 to vector<4096x512xf32>
    %select_n3A = arith.select %le3A_51, %broadcast_in_dim3A_56, %broadcast_in_dim3A_57 : vector<4096x512xi1>, vector<4096x512xf32>
    %reduce_min3A_58 = arith.constant dense<0x7F800000> : vector<4096xf32>
    %reduce_min3A_59 = vector.multi_reduction <minimumf>, %select_n3A, %reduce_min3A_58 [1] : vector<4096x512xf32> to vector<4096xf32>
    %broadcast_in_dim3A_60 = vector.shape_cast %reduce_min3A_59 : vector<4096xf32> to vector<4096x1xf32>
    %convert_element_type3A_61 = arith.fptosi %broadcast_in_dim3A_60 : vector<4096x1xf32> to vector<4096x1xi32>
    %mul3A_62 = arith.constant 512 : i32
    %mul3A_63 = arith.muli %arg0, %mul3A_62 : i32
    %add3A_64 = vector.broadcast %mul3A_63 : i32 to vector<4096x1xi32>
    %add3A_65 = arith.addi %convert_element_type3A_61, %add3A_64 : vector<4096x1xi32>
    %get3A_66 = arith.constant 0 : index
    %get3A_67 = arith.constant 0 : index
    %get3A_68 = vector.load %arg8[%get3A_66, %get3A_67] : memref<4096x1xf32, #tpu.memory_space<vmem>>, vector<4096x1xf32>
    %lt3A = arith.cmpf olt, %max3A_47, %get3A_68 : vector<4096x1xf32>
    %get3A_69 = arith.constant 0 : index
    %get3A_70 = arith.constant 0 : index
    %get3A_71 = vector.load %arg6[%get3A_69, %get3A_70] : memref<4096x1xi32, #tpu.memory_space<vmem>>, vector<4096x1xi32>
    %select_n3A_72 = arith.select %lt3A, %add3A_65, %get3A_71 : vector<4096x1xi1>, vector<4096x1xi32>
    %swap3A_73 = arith.constant 0 : index
    %swap3A_74 = arith.constant 0 : index
    %swap3A_75 = vector.load %arg6[%swap3A_73, %swap3A_74] : memref<4096x1xi32, #tpu.memory_space<vmem>>, vector<4096x1xi32>
    tpu.vector_store %arg6[%swap3A_73, %swap3A_74], %select_n3A_72 {strides = array<i32>} : memref<4096x1xi32, #tpu.memory_space<vmem>>, vector<4096x1xi32>,
    %get3A_76 = arith.constant 0 : index
    %get3A_77 = arith.constant 0 : index
    %get3A_78 = vector.load %arg8[%get3A_76, %get3A_77] : memref<4096x1xf32, #tpu.memory_space<vmem>>, vector<4096x1xf32>
    %select_n3A_79 = arith.select %lt3A, %max3A_47, %get3A_78 : vector<4096x1xi1>, vector<4096x1xf32>
    %swap3A_80 = arith.constant 0 : index
    %swap3A_81 = arith.constant 0 : index
    %swap3A_82 = vector.load %arg8[%swap3A_80, %swap3A_81] : memref<4096x1xf32, #tpu.memory_space<vmem>>, vector<4096x1xf32>
    tpu.vector_store %arg8[%swap3A_80, %swap3A_81], %select_n3A_79 {strides = array<i32>} : memref<4096x1xf32, #tpu.memory_space<vmem>>, vector<4096x1xf32>,
    return
  }
  func.func @transform_0(%arg0: i32) -> (i32, i32) {
    %c0_i32 = arith.constant 0 : i32
    %c0_i32_0 = arith.constant 0 : i32
    %c0_i32_1 = arith.constant 0 : i32
    return %c0_i32, %c0_i32_0 : i32, i32
  }
  func.func @transform_1(%arg0: i32) -> (i32, i32) {
    %c0_i32 = arith.constant 0 : i32
    %c0_i32_0 = arith.constant 0 : i32
    %c0_i32_1 = arith.constant 0 : i32
    return %c0_i32, %c0_i32_0 : i32, i32
  }
  func.func @transform_2(%arg0: i32) -> (i32, i32) {
    %c0_i32 = arith.constant 0 : i32
    %c0_i32_0 = arith.constant 0 : i32
    %c0_i32_1 = arith.constant 0 : i32
    return %c0_i32, %c0_i32_0 : i32, i32
  }
  func.func @transform_3(%arg0: i32) -> (i32, i32) {
    %c0_i32 = arith.constant 0 : i32
    %c0_i32_0 = arith.constant 0 : i32
    return %c0_i32, %arg0 : i32, i32
  }
  func.func @transform_4(%arg0: i32) -> (i32, i32) {
    %c0_i32 = arith.constant 0 : i32
    %c0_i32_0 = arith.constant 0 : i32
    %c0_i32_1 = arith.constant 0 : i32
    return %c0_i32, %c0_i32_0 : i32, i32
  }
  func.func @transform_5(%arg0: i32) -> (i32, i32) {
    %c0_i32 = arith.constant 0 : i32
    %c0_i32_0 = arith.constant 0 : i32
    %c0_i32_1 = arith.constant 0 : i32
    return %c0_i32, %c0_i32_0 : i32, i32
  }
  func.func @transform_6(%arg0: i32) -> (i32, i32) {
    %c0_i32 = arith.constant 0 : i32
    %c0_i32_0 = arith.constant 0 : i32
    %c0_i32_1 = arith.constant 0 : i32
    return %c0_i32, %c0_i32_0 : i32, i32
  }
  func.func @transform_7(%arg0: i32) -> (i32, i32) {
    %c0_i32 = arith.constant 0 : i32
    %c0_i32_0 = arith.constant 0 : i32
    %c0_i32_1 = arith.constant 0 : i32
    return %c0_i32, %c0_i32_0 : i32, i32
  }
}

module attributes {stable_mosaic.version = 14 : i64} {
  func.func @_loss_body(%arg0: memref<4096x6xf32, #tpu.memory_space<vmem>>, %arg1: memref<4096x128xf32, #tpu.memory_space<vmem>>, %arg2: memref<1x3xf32, #tpu.memory_space<vmem>>, %arg3: memref<1x1xf32, #tpu.memory_space<vmem>>) attributes {dimension_semantics = [], scalar_prefetch = 0 : i64, scratch_operands = 0 : i64, tpu.core_type = #tpu.core_type<tc>} {
    %get3A = arith.constant 0 : index
    %get3A_0 = arith.constant 0 : index
    %get3A_1 = vector.load %arg0[%get3A, %get3A_0] : memref<4096x6xf32, #tpu.memory_space<vmem>>, vector<4096x6xf32>
    %get3A_2 = arith.constant 0 : index
    %get3A_3 = arith.constant 0 : index
    %get3A_4 = vector.load %arg1[%get3A_2, %get3A_3] : memref<4096x128xf32, #tpu.memory_space<vmem>>, vector<4096x128xf32>
    %get3A_5 = arith.constant 0 : index
    %get3A_6 = arith.constant 0 : index
    %get3A_7 = vector.load %arg2[%get3A_5, %get3A_6] : memref<1x3xf32, #tpu.memory_space<vmem>>, vector<1x3xf32>
    %slice3A = vector.extract_strided_slice %get3A_1 {offsets = [0, 0], sizes = [4096, 3], strides = [1, 1]} : vector<4096x6xf32> to vector<4096x3xf32>
    %add3A = vector.broadcast %get3A_7 : vector<1x3xf32> to vector<4096x3xf32>
    %add3A_8 = arith.addf %slice3A, %add3A : vector<4096x3xf32>
    %slice3A_9 = vector.extract_strided_slice %get3A_4 {offsets = [0, 0], sizes = [4096, 3], strides = [1, 1]} : vector<4096x128xf32> to vector<4096x3xf32>
    %sub3A = arith.subf %add3A_8, %slice3A_9 : vector<4096x3xf32>
    %abs3A = math.absf %sub3A : vector<4096x3xf32>
    %lt3A = arith.constant 1.000000e+00 : f32
    %lt3A_10 = vector.broadcast %lt3A : f32 to vector<4096x3xf32>
    %lt3A_11 = arith.cmpf olt, %abs3A, %lt3A_10 : vector<4096x3xf32>
    %mul3A = arith.constant 5.000000e-01 : f32
    %mul3A_12 = vector.broadcast %mul3A : f32 to vector<4096x3xf32>
    %mul3A_13 = arith.mulf %mul3A_12, %abs3A : vector<4096x3xf32>
    %mul3A_14 = arith.mulf %mul3A_13, %abs3A : vector<4096x3xf32>
    %sub3A_15 = arith.constant 5.000000e-01 : f32
    %sub3A_16 = vector.broadcast %sub3A_15 : f32 to vector<4096x3xf32>
    %sub3A_17 = arith.subf %abs3A, %sub3A_16 : vector<4096x3xf32>
    %select_n3A = arith.select %lt3A_11, %mul3A_14, %sub3A_17 : vector<4096x3xi1>, vector<4096x3xf32>
    %reduce_sum3A = vector.shape_cast %select_n3A : vector<4096x3xf32> to vector<1x4096x3xf32>
    %reduce_sum3A_18 = arith.constant dense<0.000000e+00> : vector<1xf32>
    %reduce_sum3A_19 = vector.multi_reduction <add>, %reduce_sum3A, %reduce_sum3A_18 [1, 2] : vector<1x4096x3xf32> to vector<1xf32>
    %reduce_sum3A_20 = vector.shape_cast %reduce_sum3A_19 : vector<1xf32> to vector<1x1x1xf32>
    %reduce_sum3A_21 = vector.extract %reduce_sum3A_20[0, 0, 0] : f32 from vector<1x1x1xf32>
    %div3A = arith.constant 1.228800e+04 : f32
    %div3A_22 = arith.divf %reduce_sum3A_21, %div3A : f32
    %div3A_23 = arith.constant 2.000000e+03 : f32
    %div3A_24 = arith.divf %div3A_22, %div3A_23 : f32
    %slice3A_25 = vector.extract_strided_slice %get3A_1 {offsets = [0, 3], sizes = [4096, 3], strides = [1, 1]} : vector<4096x6xf32> to vector<4096x3xf32>
    %slice3A_26 = vector.extract_strided_slice %get3A_4 {offsets = [0, 3], sizes = [4096, 3], strides = [1, 1]} : vector<4096x128xf32> to vector<4096x3xf32>
    %mul3A_27 = arith.mulf %slice3A_25, %slice3A_25 : vector<4096x3xf32>
    %reduce_sum3A_28 = arith.constant dense<0.000000e+00> : vector<4096xf32>
    %reduce_sum3A_29 = vector.multi_reduction <add>, %mul3A_27, %reduce_sum3A_28 [1] : vector<4096x3xf32> to vector<4096xf32>
    %broadcast_in_dim3A = vector.shape_cast %reduce_sum3A_29 : vector<4096xf32> to vector<4096x1xf32>
    %sqrt3A = math.sqrt %broadcast_in_dim3A : vector<4096x1xf32>
    %max3A = arith.constant 9.99999974E-6 : f32
    %max3A_30 = vector.broadcast %max3A : f32 to vector<4096x1xf32>
    %max3A_31 = arith.maximumf %sqrt3A, %max3A_30 : vector<4096x1xf32>
    %mul3A_32 = arith.mulf %slice3A_26, %slice3A_26 : vector<4096x3xf32>
    %reduce_sum3A_33 = arith.constant dense<0.000000e+00> : vector<4096xf32>
    %reduce_sum3A_34 = vector.multi_reduction <add>, %mul3A_32, %reduce_sum3A_33 [1] : vector<4096x3xf32> to vector<4096xf32>
    %broadcast_in_dim3A_35 = vector.shape_cast %reduce_sum3A_34 : vector<4096xf32> to vector<4096x1xf32>
    %sqrt3A_36 = math.sqrt %broadcast_in_dim3A_35 : vector<4096x1xf32>
    %max3A_37 = arith.constant 9.99999974E-6 : f32
    %max3A_38 = vector.broadcast %max3A_37 : f32 to vector<4096x1xf32>
    %max3A_39 = arith.maximumf %sqrt3A_36, %max3A_38 : vector<4096x1xf32>
    %mul3A_40 = arith.mulf %slice3A_25, %slice3A_26 : vector<4096x3xf32>
    %reduce_sum3A_41 = arith.constant dense<0.000000e+00> : vector<4096xf32>
    %reduce_sum3A_42 = vector.multi_reduction <add>, %mul3A_40, %reduce_sum3A_41 [1] : vector<4096x3xf32> to vector<4096xf32>
    %broadcast_in_dim3A_43 = vector.shape_cast %reduce_sum3A_42 : vector<4096xf32> to vector<4096x1xf32>
    %mul3A_44 = arith.mulf %max3A_31, %max3A_39 : vector<4096x1xf32>
    %div3A_45 = arith.divf %broadcast_in_dim3A_43, %mul3A_44 : vector<4096x1xf32>
    %reduce_sum3A_46 = vector.shape_cast %div3A_45 : vector<4096x1xf32> to vector<1x4096x1xf32>
    %reduce_sum3A_47 = arith.constant dense<0.000000e+00> : vector<1xf32>
    %reduce_sum3A_48 = vector.multi_reduction <add>, %reduce_sum3A_46, %reduce_sum3A_47 [1, 2] : vector<1x4096x1xf32> to vector<1xf32>
    %reduce_sum3A_49 = vector.shape_cast %reduce_sum3A_48 : vector<1xf32> to vector<1x1x1xf32>
    %reduce_sum3A_50 = vector.extract %reduce_sum3A_49[0, 0, 0] : f32 from vector<1x1x1xf32>
    %div3A_51 = arith.constant 4.096000e+03 : f32
    %div3A_52 = arith.divf %reduce_sum3A_50, %div3A_51 : f32
    %sub3A_53 = arith.constant 1.000000e+00 : f32
    %sub3A_54 = arith.subf %sub3A_53, %div3A_52 : f32
    %add3A_55 = arith.addf %div3A_24, %sub3A_54 : f32
    %broadcast_in_dim3A_56 = vector.broadcast %add3A_55 : f32 to vector<1x1xf32>
    %swap3A = arith.constant 0 : index
    %swap3A_57 = arith.constant 0 : index
    %swap3A_58 = vector.load %arg3[%swap3A, %swap3A_57] : memref<1x1xf32, #tpu.memory_space<vmem>>, vector<1x1xf32>
    tpu.vector_store %arg3[%swap3A, %swap3A_57], %broadcast_in_dim3A_56 {strides = array<i32>} : memref<1x1xf32, #tpu.memory_space<vmem>>, vector<1x1xf32>,
    return
  }
}

</mosaic_0001>

<sc_bundles>
// kernel: kernel.5.cloned.1.call-start
scs
__scs_entry_jumppad:
0x0: {  	(pc) =	sbr.rel $0x88, $3  }
0x1: {  	(tag) =	ssettag $0x0;
	lr =	simm.s32 $0x1  }
0x2: {  	[smem:$0x3F9F] =	sst lr;
	_ =	strace $0xD0000000  }
0x3: {  	_ = 	snop  }
0x4: {  	_ = 	snop  }
0x5: {  	_ = 	snop  }
0x6: {  	_ = 	snop  }
0x7: {  	_ = 	snop  }
__scs_overlays_trampoline_lowered:
0x8: {  	[smem:$0x3FAE] =	sst s0  }
0x9: {  	[smem:$0x3FAF] =	sst s1  }
0xa: {  	[smem:$0x3FB0] =	sst s2  }
0xb: {  	[smem:$0x3FB1] =	sst s3  }
0xc: {  	[smem:$0x3FB2] =	sst s4  }
0xd: {  	[smem:$0x3FB3] =	sst s5  }
0xe: {  	[smem:$0x3FB4] =	sst s6  }
0xf: {  	[smem:$0x3FB5] =	sst s7  }
0x10: {  	[smem:$0x3FB6] =	sst s8  }
0x11: {  	[smem:$0x3FB7] =	sst s9;
	s0 =	simm.s32 @!p0 $0x0  }
0x12: {  	s1 =	sld [smem:$0x3F9D];
	s0 =	simm.s32 @p0 $0x1  }
0x13: {  	[smem:$0x3FB8] =	sst s0;
	s0 =	simm.s32 @!p1 $0x0  }
0x14: {  	s2 =	sld [smem:$0x3F9C];
	s0 =	simm.s32 @p1 $0x1  }
0x15: {  	[smem:$0x3FB9] =	sst s0;
	s0 =	simm.s32 @!p2 $0x0  }
0x16: {  	s3 =	sld [smem:$0x3FDB];
	s0 =	simm.s32 @p2 $0x1  }
0x17: {  	s4 =	simm.s32 $0x1BF5;
	[smem:$0x3FBB] =	sst s0  }
0x18: {  	s0 =	sld [smem:$0x3F9E];
	_ =	swait.ge [sflag:s4], $0x0  }
0x19: {  	s7 =	sld [smem:$0x3F9F]  }
0x1a: {  	s8 =	sadd.s32 $0xFFFFE003, lr  }
0x1b: {  	s9 =	sadd.s32 $0xFFFFFEF7, lr;
	s5 =	simm.s32 $0xFFFFFFFF;
	p2 =	slt.u32 s8, $0xFFFFF086  }
0x1c: {  	p1 =	slt.u32 s9, $0xF7A;
	s5 =	simm.s32 @!p2 $0x0  }
0x1d: {  	s5 =	simm.s32 @p1 $0x1;
	p0 =	seq.s32 s7, s2  }
0x1e: {  	s7 =	smul.u32 @!p0 $0xF7A, s2;
	p2 =	seq.s32 @!p0 s5, $0x0  }
0x1f: {  	s9 =	smul.u32 $0xF7A, s1;
	s8 =	simm.s32 @!p0 $0x1BF5;
	p2 =	por !p2, p0  }
0x20: {  	[sflag:s8] =	ssyncset.s32 @!p0 $0xFFFFF086;
	s6 =	sadd.s32 @!p0 s3, s7;
	s7 =	simm.s32 @!p0 $0x108  }
0x21: {  	s3 =	sadd.s32 s3, s9;
	s6 =	sadd.s32 @!p0 $0x88, s6;
	s7 =	simm.s32 @p2 $0x1082  }
0x22: {  	[simem:s7], [sflag:s8] =	dma.local @!p0 [hbm:s6], $0xF7A  }
0x23: {  	s9 =	sor.u32 $0xD0000000, s2;
	s6 =	simm.s32 $0x108;
	_ =	swait.ge @!p0 [sflag:s8], $0x0  }
0x24: {  	s3 =	sadd.s32 $0x88, s3;
	s6 =	simm.s32 @!p1 $0x1082;
	[sflag:s4] =	ssyncset.s32 $0xFFFFF086  }
0x25: {  	[simem:s6], [sflag:s4] =	dma.local [hbm:s3], $0xF7A  }
0x26: {  	[smem:$0x3F9F] =	sst s1;
	(tag) =	ssettag s2;
	_ =	strace s9  }
0x27: {  	s1 =	sld [smem:$0x3FAF]  }
0x28: {  	s2 =	sld [smem:$0x3FB0]  }
0x29: {  	s4 =	sld [smem:$0x3FB2]  }
0x2a: {  	p0 =	seq.s32 s5, $0x0;
	s5 =	sld [smem:$0x3FB3]  }
0x2b: {  	s6 =	sld [smem:$0x3FB4]  }
0x2c: {  	s7 =	sld [smem:$0x3FB5]  }
0x2d: {  	s3 =	simm.s32 $0x108;
	s8 =	sld [smem:$0x3FB6]  }
0x2e: {  	s3 =	simm.s32 @!p0 $0x1082;
	s9 =	sld [smem:$0x3FB7]  }
0x2f: {  	lr =	sadd.s32 s0, s3;
	s0 =	sld [smem:$0x3FAE]  }
0x30: {  	s3 =	sld [smem:$0x3FB1]  }
0x31: {  	[smem:$0x3FBA] =	sst s10  }
0x32: {  	s10 =	sld [smem:$0x3FB8];
	_ =	sdelay $0x3  }
0x33: {  	p0 =	seq.s32 s10, $0x1;
	s10 =	sld [smem:$0x3FBA];
	_ =	sdelay $0x3  }
0x34: {  	[smem:$0x3FBA] =	sst s10  }
0x35: {  	s10 =	sld [smem:$0x3FB9];
	_ =	sdelay $0x3  }
0x36: {  	p1 =	seq.s32 s10, $0x1;
	s10 =	sld [smem:$0x3FBA];
	_ =	sdelay $0x3  }
0x37: {  	[smem:$0x3FBA] =	sst s10  }
0x38: {  	s10 =	sld [smem:$0x3FBB]  }
0x39: {  	_ = 	snop;
	(pc) =	sbr.ind lr, $3  }
0x3a: {  	_ = 	snop  }
0x3b: {  	_ = 	snop  }
0x3c: {  	p2 =	seq.s32 s10, $0x1;
	s10 =	sld [smem:$0x3FBA]  }
0x3d: {  	_ =	shalt  }
0x3e: {  	_ =	shalt  }
0x3f: {  	_ =	shalt  }
0x40: {  	_ =	shalt  }
0x41: {  	_ =	shalt  }
0x42: {  	_ =	shalt  }
0x43: {  	_ =	shalt  }
0x44: {  	_ =	shalt  }
0x45: {  	_ =	shalt  }
0x46: {  	_ =	shalt  }
0x47: {  	_ =	shalt  }
0x48: {  	_ =	shalt  }
0x49: {  	_ =	shalt  }
0x4a: {  	_ =	shalt  }
0x4b: {  	_ =	shalt  }
0x4c: {  	_ =	shalt  }
0x4d: {  	_ =	shalt  }
0x4e: {  	_ =	shalt  }
0x4f: {  	_ =	shalt  }
0x50: {  	_ =	shalt  }
0x51: {  	_ =	shalt  }
0x52: {  	_ =	shalt  }
0x53: {  	_ =	shalt  }
0x54: {  	_ =	shalt  }
0x55: {  	_ =	shalt  }
0x56: {  	_ =	shalt  }
0x57: {  	_ =	shalt  }
0x58: {  	_ =	shalt  }
0x59: {  	_ =	shalt  }
0x5a: {  	_ =	shalt  }
0x5b: {  	_ =	shalt  }
0x5c: {  	_ =	shalt  }
0x5d: {  	_ =	shalt  }
0x5e: {  	_ =	shalt  }
0x5f: {  	_ =	shalt  }
0x60: {  	_ =	shalt  }
0x61: {  	_ =	shalt  }
0x62: {  	_ =	shalt  }
0x63: {  	_ =	shalt  }
0x64: {  	_ =	shalt  }
0x65: {  	_ =	shalt  }
0x66: {  	_ =	shalt  }
0x67: {  	_ =	shalt  }
0x68: {  	_ =	shalt  }
0x69: {  	_ =	shalt  }
0x6a: {  	_ =	shalt  }
0x6b: {  	_ =	shalt  }
0x6c: {  	_ =	shalt  }
0x6d: {  	_ =	shalt  }
0x6e: {  	_ =	shalt  }
0x6f: {  	_ =	shalt  }
0x70: {  	_ =	shalt  }
0x71: {  	_ =	shalt  }
0x72: {  	_ =	shalt  }
0x73: {  	_ =	shalt  }
0x74: {  	_ =	shalt  }
0x75: {  	_ =	shalt  }
0x76: {  	_ =	shalt  }
0x77: {  	_ =	shalt  }
0x78: {  	_ =	shalt  }
0x79: {  	_ =	shalt  }
0x7a: {  	_ =	shalt  }
0x7b: {  	_ =	shalt  }
0x7c: {  	_ =	shalt  }
0x7d: {  	_ =	shalt  }
0x7e: {  	_ =	shalt  }
0x7f: {  	_ =	shalt  }
0x80: {  	_ =	shalt  }
0x81: {  	_ =	shalt  }
0x82: {  	_ =	shalt  }
0x83: {  	_ =	shalt  }
0x84: {  	_ =	shalt  }
0x85: {  	_ =	shalt  }
0x86: {  	_ =	shalt  }
0x87: {  	_ =	shalt  }
.Lfunc_end0:
.L_simem_size_0:
called_computation_lowered:
.L_overlay_start_0:
0x88: {  	s2 =	sld [smem:$0x3FD9]  }
0x89: {  	s3 =	sld [smem:$0x3FFE];
	_ =	sdelay $0x1  }
0x8a: {  	s1 =	srdreg.scid  }
0x8b: {  	s0 =	sand.u32 $0x1, s1  }
0x8c: {  	s16 =	sshll.u32 s0, $0xA;
	s2 =	sadd.s32 s3, s2  }
0x8d: {  	s2 =	sadd.s32 s2, s16  }
0x8e: {  	[smem:$0x3FC6] =	sst s2  }
0x8f: {  	_ = 	snop  }
0x90: {  	(tm) =	ssettm $0x1  }
0x91: {  	s17 =	sld [smem:$0x3FFB];
	_ =	sdelay $0x3  }
0x92: {  	_ =	strace s17  }
0x93: {  	s2 =	sld [smem:$0x3FFC];
	_ =	sdelay $0x3  }
0x94: {  	_ =	strace s2  }
0x95: {  	s2 =	sld [smem:$0x3FFD];
	_ =	sdelay $0x3  }
0x96: {  	_ =	strace s2  }
0x97: {  	_ =	strace $0x8FFFFFFF  }
0x98: {  	s18 =	sld [smem:$0x3FDB];
	_ =	sdelay $0x1  }
0x99: {  	s19 =	simm.s32 $_scs_section_size  }
0x9a: {  	s4 =	simm.s32 $_size__tile_overlayer_lowered;
	s5 =	simm.s32 $_tile_overlayer_lowered  }
0x9b: {  	s22 =	simm.s32 $0x1BFF;
	s21 =	sshll.u32 s5, $0x1;
	s2 =	sadd.s32 s19, s18  }
0x9c: {  	s6 =	simm.s32 $0x0;
	s20 =	sshll.u32 s4, $0x1;
	s4 =	sadd.s32 s21, s2  }
0x9d: {  	[timem:s6], [sflag:s22] =	dma.local [hbm:s4], s20  }
0x9e: {  	_ =	swait.ge [sflag:s22], s20  }
0x9f: {  	s3 =	ssub.s32 $0x0, s20;
	[sflag:s22] =	ssyncset.done $0x0  }
0xa0: {  	[sflag:s22] =	ssyncadd.s32 s3;
	_ =	sdelay $0x1  }
0xa1: {  	s23 =	simm.s32 $0x1B8B  }
0xa2: {  	_ =	swait.ge [sflag:s23], $0x1  }
0xa3: {  	[sflag:s23] =	ssyncset.done $0x0  }
0xa4: {  	s25 =	simm.s32 $0x1B8E;
	s24 =	sld [smem:$0x3FFE];
	[sflag:s23] =	ssyncadd.s32 $0xFFFFFFFF  }
0xa5: {  	s26 =	simm.s32 $execute0_lowered;
	[smem:$0x3FD2] =	sst s25  }
0xa6: {  	s4 =	sshll.u32 s26, $0x1;
	_ =	strace $0x80000046;
	[dreg:$0x1] =	wrdreg $0xFFFFFFFF  }
0xa7: {  	s28 =	simm.s32 $_size_execute0_lowered;
	s2 =	sadd.s32 s2, s4;
	[dreg:$0x0] =	wrdreg $0x0  }
0xa8: {  	s4 =	sshll.u32 s28, $0x1;
	[dreg:$0x2] =	wrdreg s2  }
0xa9: {  	[dreg:$0x3] =	wrdreg s4  }
0xaa: {  	[dreg:$0x4] =	wrdreg $0xC0  }
0xab: {  	_ =	task [dreg:s6], $0x5FFFF  }
0xac: {  	[dreg:$0x1] =	wrdreg $0xFFFFFFFF  }
0xad: {  	[dreg:$0x0] =	wrdreg $0x60  }
0xae: {  	[dreg:$0x2] =	wrdreg s24  }
0xaf: {  	[dreg:$0x3] =	wrdreg $0x9  }
0xb0: {  	_ =	task.clear_ibuf [dreg:s6], $0x4FFFF;
	_ =	strace $0x90000046  }
0xb1: {  	s29 =	simm.s32 $0x9;
	_ =	strace $0x80000048  }
0xb2: {  	_ =	swait.ge [sflag:s29], $0x1  }
0xb3: {  	[sflag:s29] =	ssyncadd.s32 $0xFFFFFFFF  }
0xb4: {  	_ =	strace $0x90000048  }
0xb5: {  	_ =	sfence  }
0xb6: {  	s30 =	sld [smem:$0x0];
	_ =	sdelay $0x2  }
0xb7: {  	s31 =	sshll.u32 s1, $0xD;
	s1 =	sshrl.u32 s1, $0x2  }
0xb8: {  	s3 =	sand.u32 $0x4000, s31;
	s1 =	sadd.s32 s1, s30  }
0xb9: {  	s0 =	sor.u32 s3, s0;
	s1 =	sshll.u32 s1, $0x11  }
0xba: {  	s0 =	sor.u32 s1, s0  }
0xbb: {  	s0 =	sadd.s32 $0x8F2B, s0  }
0xbc: {  	[sflag:s0] =	ssyncadd.remote.s32 $0x1  }
0xbd: {  	_ =	sfence.sel $0xFFFF  }
0xbe: {  	[dreg:$0x0] =	wrdreg $0xFFFFFFFF;
	(pc) =	sbr.abs _section_cstart, $3  }
0xbf: {  	[dreg:$0x1] =	wrdreg $0xFFFFFFFF  }
0xc0: {  	_ =	task.clear_ibuf [dreg:s6], $0x2FFFF;
	_ =	strace $0x9FFFFFFF  }
0xc1: {  	(tm) =	ssettm $0x7FFFFFFF  }
tec
execute0_lowered:
.L_overlay_start_1:
0x0: {  	(tag) =	ssettag $0x1  }
0x1: {  	s1 =	srdreg.scid  }
0x2: {  	s0 =	stileid.u32;
	s6 =	sand.u32 $0x1, s1  }
0x3: {  	s8 =	rddreg [dreg:$0x0];
	s30 =	sshll.u32 s0, $0x8;
	s2 =	sshll.u32 s6, $0x7  }
0x4: {  	s7 =	simm.s32 $0x1;
	s1 =	rddreg [dreg:$0x1];
	s9 =	sor.u32 s2, s30  }
0x5: {  	s5 =	sadd.s32 $0x400, s8;
	s2 =	simm.s32 $0x0;
	s3 =	sshrl.u32 s9, $0x3  }
0x6: {  	s10 =	ssub.s32 $0x2, s6;
	[smem:$0x7FF] =	sst s2;
	s3 =	sadd.s32 s3, s8  }
0x7: {  	_ =	strace $0x80000047;
	s4 =	sadd.s32 $0x200, s3;
	s3 =	simm.s32 $0x2  }
0x8: {  	[tilespmem:s2], [sflag:$0x2] =	stream.linear.gather [hbm4b:s4+s2], $0x80, $0x38;
	[tilespmem:$0x4080] =	vst v63  }
0x9: {  	s6 =	simm.s32 $0x80;
	s11 =	sshrl.u32 s10, $0x1;
	_ =	swait.ge [sflag:s3], $0x80  }
0xa: {  	s9 =	sshll.u32 s9, $0x4;
	s31 =	ssub.s32 s10, s11;
	[sflag:s3] =	ssyncset.done $0x0  }
0xb: {  	s8 =	sadd.s32 s9, s8;
	s9 =	smax.u32 s31, $0x1;
	[sflag:s3] =	ssyncadd.s32 $0xFFFFFF80  }
0xc: {  	[tilespmem:s6], [sflag:$0x1] =	stream.indirect.gather [hbm4b:s5+s6], $0x80, s2, s6, $0xb8;
	[tilespmem:$0x4080] =	vst v63  }
0xd: {  	p0 =	sne.s32 s9, $0x1;
	_ =	swait.ge [sflag:s7], $0x4000  }
.Ltmp0:
0xe: {  	[sflag:s7] =	ssyncset.done $0x0;
	(pc) =	sbr.rel @!p0 .LBB2_2-.Ltmp0, $4  }
0xf: {  	s8 =	sadd.s32 $0x40400, s8;
	[sflag:s7] =	ssyncadd.s32 $0xFFFFC000  }
0x10: {  	[hbm4b:s8+s2] =	stream.linear.scatter [tilespmem:s6], [sflag:$0x2], $0x4000, $0x38;
	[tilespmem:$0x4080] =	vst v63  }
0x11: {  	_ =	swait.ge [sflag:s3], $0x4000  }
0x12: {  	s9 =	sadd.s32 $0xFFFFFFFF, s9;
	[sflag:s3] =	ssyncset.done $0x0  }
.LBB2_1:
0x13: {  	p0 =	sne.s32 s9, $0x1;
	s9 =	sadd.s32 $0xFFFFFFFF, s9;
	[sflag:s3] =	ssyncadd.s32 $0xFFFFC000  }
0x14: {  	[tilespmem:s2], [sflag:$0x2] =	stream.linear.gather [hbm4b:s4+s2], $0x80, $0x38;
	[tilespmem:$0x4080] =	vst v63  }
0x15: {  	_ =	swait.ge [sflag:s3], $0x80  }
0x16: {  	[sflag:s3] =	ssyncset.done $0x0  }
0x17: {  	[sflag:s3] =	ssyncadd.s32 $0xFFFFFF80  }
0x18: {  	[tilespmem:s6], [sflag:$0x1] =	stream.indirect.gather [hbm4b:s5+s6], $0x80, s2, s6, $0xb8;
	[tilespmem:$0x4080] =	vst v63  }
0x19: {  	_ =	swait.ge [sflag:s7], $0x4000  }
.Ltmp1:
0x1a: {  	[sflag:s7] =	ssyncset.done $0x0;
	(pc) =	sbr.rel @p0 .LBB2_1-.Ltmp1, $4  }
0x1b: {  	[sflag:s7] =	ssyncadd.s32 $0xFFFFC000  }
0x1c: {  	[hbm4b:s8+s2] =	stream.linear.scatter [tilespmem:s6], [sflag:$0x2], $0x4000, $0x38;
	[tilespmem:$0x4080] =	vst v63  }
0x1d: {  	_ =	swait.ge [sflag:s3], $0x4000  }
0x1e: {  	[sflag:s3] =	ssyncset.done $0x0  }
.LBB2_2:
0x1f: {  	[sflag:s3] =	ssyncadd.s32 $0xFFFFC000  }
0x20: {  	_ =	sfence.sel $0x180000  }
0x21: {  	[bflag:$0x0] =	sbarrier.arrive $0xFFFF  }
0x22: {  	p0 =	sne.s32 s0, $0x0;
	_ =	strace $0x90000047  }
0x23: {  	s0 =	sadd.s32 @!p0 $0x100000, s1;
	[bflag:$0x2] =	sbarrier.arrive $0xFFFF  }
0x24: {  	[sflag:s0] =	ssyncadd.tile.s32 @!p0 $0x1;
	_ =	shalt  }
.Lfunc_end2:
_tile_overlayer_lowered:
.L_overlay_start_2:
0x25: {  	(tag) =	ssettag $0x2  }
0x26: {  	s0 =	rddreg [dreg:$0x0];
	s2 =	stileid.u32  }
0x27: {  	s1 =	rddreg [dreg:$0x1];
	p0 =	sne.s32 s2, $0x0  }
0x28: {  	s3 =	rddreg [dreg:$0x2];
	[bflag:$0x3] =	sbarrier.arrive $0xFFFF;
	s2 =	simm.s32 @!p0 $0x1C02  }
0x29: {  	[timem:s3], [sflag:s2] =	dma.local @!p0 [hbm:s0], s1  }
0x2a: {  	s0 =	simm.s32 @!p0 $0x2  }
0x2b: {  	_ =	swait.ge @!p0 [sflag:s0], s1  }
0x2c: {  	s1 =	ssub.s32 @!p0 $0x0, s1;
	[sflag:s0] =	ssyncset.done @!p0 $0x0  }
0x2d: {  	[sflag:s0] =	ssyncadd.s32 @!p0 s1  }
0x2e: {  	[bflag:$0x3] =	sbarrier.arrive $0xFFFF  }
0x2f: {  	_ =	shalt  }

</sc_bundles>
